<compile_context>
chip_gen: v7x
topology: tpu7x:2x2x1
jax: 0.10.2.dev20260603
libtpu: 0.0.44.dev20260713+nightly
codegen_flags: <defaults>
</compile_context>

<pallas_src>
import functools

import jax
import jax.numpy as jnp
from jax import lax
from jax.experimental import pallas as pl
from jax.experimental.pallas import tpu as pltpu
from jax.experimental.pallas import tpu_sc as plsc

B, S, D = 4, 2048, 1024
LANES = 16
VPR = D // LANES

S_TC = 1792
S_SC = S - S_TC
BS_TC = 1792

NC, NS = 2, 16
NW = NC * NS
S_PER_W = S_SC // NW
CH = 8
N_CH = S_PER_W // CH
NBUF = 3


def _sc_body(x_hbm, emb_hbm, out_hbm, emb_v, x_v, e_sem, x_sem, o_sem):
    wid = lax.axis_index("s") * NC + lax.axis_index("c")
    s0 = wid * S_PER_W

    def issue_in(ci, p):
        r = s0 + ci * CH
        ed = pltpu.async_copy(
            emb_hbm.at[pl.ds(S_TC + r, CH)], emb_v.at[p], e_sem.at[p]
        )
        xd = pltpu.async_copy(
            x_hbm.at[:, pl.ds(S_TC + r, CH), :], x_v.at[p], x_sem.at[p]
        )
        return ed, xd

    def issue_out(ci, p):
        r = s0 + ci * CH
        return pltpu.async_copy(
            x_v.at[p], out_hbm.at[:, pl.ds(r, CH), :], o_sem.at[p]
        )

    pend_in = {ci: issue_in(ci, ci % NBUF) for ci in range(min(2, N_CH))}
    pend_out = {}
    for ci in range(N_CH):
        p = ci % NBUF
        ed, xd = pend_in.pop(ci)
        ed.wait()
        xd.wait()

        @plsc.parallel_loop(0, CH * VPR, unroll=4)
        def _(j):
            r = lax.shift_right_logical(j, 6)
            c = lax.bitwise_and(j, VPR - 1)
            sl = pl.ds(c * LANES, LANES)
            ev = emb_v[p, r, sl]
            for b in range(B):
                x_v[p, b, r, sl] = x_v[p, b, r, sl] + ev

        pend_out[ci] = issue_out(ci, p)
        if ci + 2 < N_CH:
            if ci - 1 in pend_out:
                pend_out.pop(ci - 1).wait()
            pend_in[ci + 2] = issue_in(ci + 2, (ci + 2) % NBUF)
    for od in pend_out.values():
        od.wait()


@functools.cache
def _make_sc_add():
    return pl.kernel(
        _sc_body,
        out_type=jax.ShapeDtypeStruct((B, S_SC, D), jnp.float32),
        mesh=plsc.VectorSubcoreMesh(
            core_axis_name="c", subcore_axis_name="s", num_cores=NC, num_subcores=NS
        ),
        scratch_types=[
            pltpu.VMEM((NBUF, CH, D), jnp.float32),
            pltpu.VMEM((NBUF, B, CH, D), jnp.float32),
            pltpu.SemaphoreType.DMA((NBUF,)),
            pltpu.SemaphoreType.DMA((NBUF,)),
            pltpu.SemaphoreType.DMA((NBUF,)),
        ],
    )


def _tc_add_body(x_ref, emb_ref, o_ref):
    o_ref[...] = x_ref[...] + emb_ref[...][None]


def _tc_add(x, emb):
    grid = (S_TC // BS_TC, B)
    return pl.pallas_call(
        _tc_add_body,
        grid=grid,
        in_specs=[
            pl.BlockSpec((1, BS_TC, D), lambda i, j: (j, i, 0)),
            pl.BlockSpec((BS_TC, D), lambda i, j: (i, 0)),
        ],
        out_specs=pl.BlockSpec((1, BS_TC, D), lambda i, j: (j, i, 0)),
        out_shape=jax.ShapeDtypeStruct((B, S, D), x.dtype),
    )(x, emb)


def _stitch_body(tc_ref, sc_ref, o_ref):
    o_ref[...] = sc_ref[...]


def _stitch(tc_out, sc_out):
    return pl.pallas_call(
        _stitch_body,
        grid=(B,),
        in_specs=[
            pl.BlockSpec(memory_space=pl.ANY),
            pl.BlockSpec((1, S_SC, D), lambda j: (j, 0, 0)),
        ],
        out_specs=pl.BlockSpec((1, S_SC, D), lambda j: (j, S_TC // S_SC, 0)),
        out_shape=jax.ShapeDtypeStruct((B, S, D), tc_out.dtype),
        input_output_aliases={0: 0},
    )(tc_out, sc_out)


def kernel(x, emb):
    sc_out = _make_sc_add()(x, emb)
    tc_out = _tc_add(x, emb)
    return _stitch(tc_out, sc_out)

# --- scband reference (transcript-rebuilt; emitter-appended) ---
"""Pipeline reference for scband-positional-encoding-3616362463808 (READ-ONLY COPY).

The authoritative reference and input builder live on the scoring server;
editing this copy changes nothing except your own understanding.
"""

import jax, jax.numpy as jnp
import numpy as np

D_MODEL = 1024
NUM_POSITIONS = 2048
BATCH = 4
SEQ = 2048

def setup_inputs(seed: int = 0) -> dict:
    key = jax.random.key(seed)
    k1, k2 = jax.random.split(key)
    x = jax.random.normal(k1, (BATCH, SEQ, D_MODEL), dtype=jnp.float32)
    # nn.Embedding default init: N(0,1)
    emb = jax.random.normal(k2, (NUM_POSITIONS, D_MODEL), dtype=jnp.float32)
    return {"x": x, "emb": emb}

def reference(x, emb):
    # batched=True path: gather positional rows [0..seq), unsqueeze(0), broadcast-add
    emb_size = x.shape[-2]
    indices_to_embed = jnp.arange(emb_size, dtype=jnp.int32)
    pos = jnp.take(emb, indices_to_embed, axis=0)  # [seq, d_model]
    emb_unsq = pos[None, :, :]                      # [1, seq, d_model]
    return x + emb_unsq

if __name__ == "__main__":
    import jax
    _d = setup_inputs()
    print(jax.jit(kernel)(*tuple(_d.values())))

</pallas_src>

<mosaic_0001>
#map = affine_map<(d0, d1) -> (0, 0, 0)>
#map1 = affine_map<(d0, d1) -> (0, 0)>
module attributes {stable_mosaic.version = 14 : i64} {
  func.func @_sc_body(%arg0: i32, %arg1: i32, %arg2: memref<4x2048x1024xf32, #tpu.memory_space<hbm>>, %arg3: memref<2048x1024xf32, #tpu.memory_space<hbm>>, %arg4: memref<4x256x1024xf32, #tpu.memory_space<hbm>>, %arg5: memref<3x8x1024xf32, #tpu.memory_space<vmem>>, %arg6: memref<3x4x8x1024xf32, #tpu.memory_space<vmem>>, %arg7: memref<3x!tpu.dma_semaphore, #tpu.memory_space<semaphore_mem>>, %arg8: memref<3x!tpu.dma_semaphore, #tpu.memory_space<semaphore_mem>>, %arg9: memref<3x!tpu.dma_semaphore, #tpu.memory_space<semaphore_mem>>) attributes {dimension_semantics = [#tpu.dimension_semantics<core_parallel>, #tpu.dimension_semantics<subcore_parallel>], iteration_bounds = array<i64: 2, 16>, scalar_prefetch = 0 : i64, scratch_operands = 5 : i64, tpu.core_type = #tpu.core_type<sc_vector_subcore>, window_params = [{transform_indices = #map}, {transform_indices = #map1}, {transform_indices = #map}]} {
    %mul3A = arith.constant 2 : i32
    %mul3A_0 = arith.muli %arg1, %mul3A : i32
    %add3A = arith.addi %mul3A_0, %arg0 : i32
    %mul3A_1 = arith.constant 8 : i32
    %mul3A_2 = arith.muli %add3A, %mul3A_1 : i32
    %add3A_3 = arith.constant 0 : i32
    %add3A_4 = arith.addi %mul3A_2, %add3A_3 : i32
    %add3A_5 = arith.constant 1792 : i32
    %add3A_6 = arith.addi %add3A_5, %add3A_4 : i32
    %dma_start3A = arith.constant 0 : i32
    %dma_start3A_7 = arith.constant 0 : i32
    %dma_start3A_8 = arith.constant 0 : i32
    %dma_start3A_9 = arith.constant 0 : i32
    %dma_start3A_10 = tpu.memref_slice %arg5[%dma_start3A, %dma_start3A_8, %dma_start3A_9] : memref<3x8x1024xf32, #tpu.memory_space<vmem>> -> memref<1x8x1024xf32, #tpu.memory_space<vmem>>
    %dma_start3A_11 = tpu.memref_squeeze %dma_start3A_10 : memref<1x8x1024xf32, #tpu.memory_space<vmem>> -> memref<8x1024xf32, #tpu.memory_space<vmem>>
    %dma_start3A_12 = arith.constant 0 : i32
    %dma_start3A_13 = tpu.memref_slice %arg3[%add3A_6, %dma_start3A_12] : memref<2048x1024xf32, #tpu.memory_space<hbm>> -> memref<8x1024xf32, #tpu.memory_space<hbm>>
    %dma_start3A_14 = tpu.memref_slice %arg7[%dma_start3A_7] : memref<3x!tpu.dma_semaphore, #tpu.memory_space<semaphore_mem>> -> memref<1x!tpu.dma_semaphore, #tpu.memory_space<semaphore_mem>>
    %dma_start3A_15 = tpu.memref_squeeze %dma_start3A_14 : memref<1x!tpu.dma_semaphore, #tpu.memory_space<semaphore_mem>> -> memref<!tpu.dma_semaphore, #tpu.memory_space<semaphore_mem>>
    %dma_start3A_16 = arith.constant 0 : i32
    %dma_start3A_17 = arith.constant 0 : i32
    %dma_start3A_18 = tpu.memref_slice %arg5[%dma_start3A, %dma_start3A_16, %dma_start3A_17] : memref<3x8x1024xf32, #tpu.memory_space<vmem>> -> memref<1x8x1024xf32, #tpu.memory_space<vmem>>
    %dma_start3A_19 = tpu.memref_squeeze %dma_start3A_18 : memref<1x8x1024xf32, #tpu.memory_space<vmem>> -> memref<8x1024xf32, #tpu.memory_space<vmem>>
    %dma_start3A_20 = arith.constant 0 : i32
    %dma_start3A_21 = tpu.memref_slice %arg3[%add3A_6, %dma_start3A_20] : memref<2048x1024xf32, #tpu.memory_space<hbm>> -> memref<8x1024xf32, #tpu.memory_space<hbm>>
    tpu.enqueue_dma source(%dma_start3A_21 : memref<8x1024xf32, #tpu.memory_space<hbm>>) target(%dma_start3A_19 : memref<8x1024xf32, #tpu.memory_space<vmem>>) target_semaphore(%dma_start3A_15 : memref<!tpu.dma_semaphore, #tpu.memory_space<semaphore_mem>>)
    %add3A_22 = arith.constant 1792 : i32
    %add3A_23 = arith.addi %add3A_22, %add3A_4 : i32
    %dma_start3A_24 = arith.constant 0 : i32
    %dma_start3A_25 = arith.constant 0 : i32
    %dma_start3A_26 = arith.constant 0 : i32
    %dma_start3A_27 = arith.constant 0 : i32
    %dma_start3A_28 = arith.constant 0 : i32
    %dma_start3A_29 = tpu.memref_slice %arg6[%dma_start3A_24, %dma_start3A_26, %dma_start3A_27, %dma_start3A_28] : memref<3x4x8x1024xf32, #tpu.memory_space<vmem>> -> memref<1x4x8x1024xf32, #tpu.memory_space<vmem>>
    %dma_start3A_30 = tpu.memref_squeeze %dma_start3A_29 : memref<1x4x8x1024xf32, #tpu.memory_space<vmem>> -> memref<4x8x1024xf32, #tpu.memory_space<vmem>>
    %dma_start3A_31 = arith.constant 0 : i32
    %dma_start3A_32 = arith.constant 0 : i32
    %dma_start3A_33 = tpu.memref_slice %arg2[%dma_start3A_31, %add3A_23, %dma_start3A_32] : memref<4x2048x1024xf32, #tpu.memory_space<hbm>> -> memref<4x8x1024xf32, #tpu.memory_space<hbm>>
    %dma_start3A_34 = tpu.memref_slice %arg8[%dma_start3A_25] : memref<3x!tpu.dma_semaphore, #tpu.memory_space<semaphore_mem>> -> memref<1x!tpu.dma_semaphore, #tpu.memory_space<semaphore_mem>>
    %dma_start3A_35 = tpu.memref_squeeze %dma_start3A_34 : memref<1x!tpu.dma_semaphore, #tpu.memory_space<semaphore_mem>> -> memref<!tpu.dma_semaphore, #tpu.memory_space<semaphore_mem>>
    %dma_start3A_36 = arith.constant 0 : i32
    %dma_start3A_37 = arith.constant 0 : i32
    %dma_start3A_38 = arith.constant 0 : i32
    %dma_start3A_39 = tpu.memref_slice %arg6[%dma_start3A_24, %dma_start3A_36, %dma_start3A_37, %dma_start3A_38] : memref<3x4x8x1024xf32, #tpu.memory_space<vmem>> -> memref<1x4x8x1024xf32, #tpu.memory_space<vmem>>
    %dma_start3A_40 = tpu.memref_squeeze %dma_start3A_39 : memref<1x4x8x1024xf32, #tpu.memory_space<vmem>> -> memref<4x8x1024xf32, #tpu.memory_space<vmem>>
    %dma_start3A_41 = arith.constant 0 : i32
    %dma_start3A_42 = arith.constant 0 : i32
    %dma_start3A_43 = tpu.memref_slice %arg2[%dma_start3A_41, %add3A_23, %dma_start3A_42] : memref<4x2048x1024xf32, #tpu.memory_space<hbm>> -> memref<4x8x1024xf32, #tpu.memory_space<hbm>>
    tpu.enqueue_dma source(%dma_start3A_43 : memref<4x8x1024xf32, #tpu.memory_space<hbm>>) target(%dma_start3A_40 : memref<4x8x1024xf32, #tpu.memory_space<vmem>>) target_semaphore(%dma_start3A_35 : memref<!tpu.dma_semaphore, #tpu.memory_space<semaphore_mem>>)
    %dma_wait3A = arith.constant 0 : i32
    %dma_wait3A_44 = arith.constant 0 : i32
    %dma_wait3A_45 = arith.constant 0 : i32
    %dma_wait3A_46 = arith.constant 0 : i32
    %dma_wait3A_47 = tpu.memref_slice %arg5[%dma_wait3A, %dma_wait3A_45, %dma_wait3A_46] : memref<3x8x1024xf32, #tpu.memory_space<vmem>> -> memref<1x8x1024xf32, #tpu.memory_space<vmem>>
    %dma_wait3A_48 = tpu.memref_squeeze %dma_wait3A_47 : memref<1x8x1024xf32, #tpu.memory_space<vmem>> -> memref<8x1024xf32, #tpu.memory_space<vmem>>
    %dma_wait3A_49 = arith.constant 0 : i32
    %dma_wait3A_50 = tpu.memref_slice %arg3[%add3A_6, %dma_wait3A_49] : memref<2048x1024xf32, #tpu.memory_space<hbm>> -> memref<8x1024xf32, #tpu.memory_space<hbm>>
    %dma_wait3A_51 = tpu.memref_slice %arg7[%dma_wait3A_44] : memref<3x!tpu.dma_semaphore, #tpu.memory_space<semaphore_mem>> -> memref<1x!tpu.dma_semaphore, #tpu.memory_space<semaphore_mem>>
    %dma_wait3A_52 = tpu.memref_squeeze %dma_wait3A_51 : memref<1x!tpu.dma_semaphore, #tpu.memory_space<semaphore_mem>> -> memref<!tpu.dma_semaphore, #tpu.memory_space<semaphore_mem>>
    %dma_wait3A_53 = arith.constant 0 : i32
    %dma_wait3A_54 = arith.constant 0 : i32
    %dma_wait3A_55 = tpu.memref_slice %arg5[%dma_wait3A, %dma_wait3A_53, %dma_wait3A_54] : memref<3x8x1024xf32, #tpu.memory_space<vmem>> -> memref<1x8x1024xf32, #tpu.memory_space<vmem>>
    %dma_wait3A_56 = tpu.memref_squeeze %dma_wait3A_55 : memref<1x8x1024xf32, #tpu.memory_space<vmem>> -> memref<8x1024xf32, #tpu.memory_space<vmem>>
    %dma_wait3A_57 = arith.constant 0 : i32
    %dma_wait3A_58 = tpu.memref_slice %arg3[%add3A_6, %dma_wait3A_57] : memref<2048x1024xf32, #tpu.memory_space<hbm>> -> memref<8x1024xf32, #tpu.memory_space<hbm>>
    tpu.wait_dma2 semaphore(%dma_wait3A_52 : memref<!tpu.dma_semaphore, #tpu.memory_space<semaphore_mem>>) src(%dma_wait3A_58 : memref<8x1024xf32, #tpu.memory_space<hbm>>) dst(%dma_wait3A_56 : memref<8x1024xf32, #tpu.memory_space<vmem>>)
    %dma_wait3A_59 = arith.constant 0 : i32
    %dma_wait3A_60 = arith.constant 0 : i32
    %dma_wait3A_61 = arith.constant 0 : i32
    %dma_wait3A_62 = arith.constant 0 : i32
    %dma_wait3A_63 = arith.constant 0 : i32
    %dma_wait3A_64 = tpu.memref_slice %arg6[%dma_wait3A_59, %dma_wait3A_61, %dma_wait3A_62, %dma_wait3A_63] : memref<3x4x8x1024xf32, #tpu.memory_space<vmem>> -> memref<1x4x8x1024xf32, #tpu.memory_space<vmem>>
    %dma_wait3A_65 = tpu.memref_squeeze %dma_wait3A_64 : memref<1x4x8x1024xf32, #tpu.memory_space<vmem>> -> memref<4x8x1024xf32, #tpu.memory_space<vmem>>
    %dma_wait3A_66 = arith.constant 0 : i32
    %dma_wait3A_67 = arith.constant 0 : i32
    %dma_wait3A_68 = tpu.memref_slice %arg2[%dma_wait3A_66, %add3A_23, %dma_wait3A_67] : memref<4x2048x1024xf32, #tpu.memory_space<hbm>> -> memref<4x8x1024xf32, #tpu.memory_space<hbm>>
    %dma_wait3A_69 = tpu.memref_slice %arg8[%dma_wait3A_60] : memref<3x!tpu.dma_semaphore, #tpu.memory_space<semaphore_mem>> -> memref<1x!tpu.dma_semaphore, #tpu.memory_space<semaphore_mem>>
    %dma_wait3A_70 = tpu.memref_squeeze %dma_wait3A_69 : memref<1x!tpu.dma_semaphore, #tpu.memory_space<semaphore_mem>> -> memref<!tpu.dma_semaphore, #tpu.memory_space<semaphore_mem>>
    %dma_wait3A_71 = arith.constant 0 : i32
    %dma_wait3A_72 = arith.constant 0 : i32
    %dma_wait3A_73 = arith.constant 0 : i32
    %dma_wait3A_74 = tpu.memref_slice %arg6[%dma_wait3A_59, %dma_wait3A_71, %dma_wait3A_72, %dma_wait3A_73] : memref<3x4x8x1024xf32, #tpu.memory_space<vmem>> -> memref<1x4x8x1024xf32, #tpu.memory_space<vmem>>
    %dma_wait3A_75 = tpu.memref_squeeze %dma_wait3A_74 : memref<1x4x8x1024xf32, #tpu.memory_space<vmem>> -> memref<4x8x1024xf32, #tpu.memory_space<vmem>>
    %dma_wait3A_76 = arith.constant 0 : i32
    %dma_wait3A_77 = arith.constant 0 : i32
    %dma_wait3A_78 = tpu.memref_slice %arg2[%dma_wait3A_76, %add3A_23, %dma_wait3A_77] : memref<4x2048x1024xf32, #tpu.memory_space<hbm>> -> memref<4x8x1024xf32, #tpu.memory_space<hbm>>
    tpu.wait_dma2 semaphore(%dma_wait3A_70 : memref<!tpu.dma_semaphore, #tpu.memory_space<semaphore_mem>>) src(%dma_wait3A_78 : memref<4x8x1024xf32, #tpu.memory_space<hbm>>) dst(%dma_wait3A_75 : memref<4x8x1024xf32, #tpu.memory_space<vmem>>)
    %parallel_loop3A = arith.constant 0 : i32
    %parallel_loop3A_79 = arith.constant 512 : i32
    %parallel_loop3A_80 = arith.constant 1 : i32
    scf.for %parallel_loop3A_123 = %parallel_loop3A to %parallel_loop3A_79 step %parallel_loop3A_80  : i32 {
      %parallel_loop3A_124 = arith.constant 6 : i32
      %parallel_loop3A_125 = arith.shrui %parallel_loop3A_123, %parallel_loop3A_124 : i32
      %parallel_loop3A_126 = arith.constant 63 : i32
      %parallel_loop3A_127 = arith.andi %parallel_loop3A_123, %parallel_loop3A_126 : i32
      %parallel_loop3A_128 = arith.constant 16 : i32
      %parallel_loop3A_129 = arith.muli %parallel_loop3A_127, %parallel_loop3A_128 : i32
      %parallel_loop3A_130 = arith.constant 0 : i32
      %parallel_loop3A_131 = arith.index_cast %parallel_loop3A_130 : i32 to index
      %parallel_loop3A_132 = arith.index_cast %parallel_loop3A_125 : i32 to index
      %parallel_loop3A_133 = arith.index_cast %parallel_loop3A_129 : i32 to index
      %parallel_loop3A_134 = tpu.vector_load %arg5[%parallel_loop3A_131, %parallel_loop3A_132, %parallel_loop3A_133] {strides = array<i32>} : memref<3x8x1024xf32, #tpu.memory_space<vmem>>, vector<1x1x16xf32>,
      %parallel_loop3A_135 = vector.shape_cast %parallel_loop3A_134 : vector<1x1x16xf32> to vector<16xf32>
      %parallel_loop3A_136 = arith.constant 0 : i32
      %parallel_loop3A_137 = arith.constant 0 : i32
      %parallel_loop3A_138 = arith.index_cast %parallel_loop3A_136 : i32 to index
      %parallel_loop3A_139 = arith.index_cast %parallel_loop3A_137 : i32 to index
      %parallel_loop3A_140 = arith.index_cast %parallel_loop3A_125 : i32 to index
      %parallel_loop3A_141 = arith.index_cast %parallel_loop3A_129 : i32 to index
      %parallel_loop3A_142 = tpu.vector_load %arg6[%parallel_loop3A_138, %parallel_loop3A_139, %parallel_loop3A_140, %parallel_loop3A_141] {strides = array<i32>} : memref<3x4x8x1024xf32, #tpu.memory_space<vmem>>, vector<1x1x1x16xf32>,
      %parallel_loop3A_143 = vector.shape_cast %parallel_loop3A_142 : vector<1x1x1x16xf32> to vector<16xf32>
      %parallel_loop3A_144 = arith.addf %parallel_loop3A_143, %parallel_loop3A_135 : vector<16xf32>
      %parallel_loop3A_145 = arith.constant 0 : i32
      %parallel_loop3A_146 = arith.constant 0 : i32
      %parallel_loop3A_147 = arith.index_cast %parallel_loop3A_145 : i32 to index
      %parallel_loop3A_148 = arith.index_cast %parallel_loop3A_146 : i32 to index
      %parallel_loop3A_149 = arith.index_cast %parallel_loop3A_125 : i32 to index
      %parallel_loop3A_150 = arith.index_cast %parallel_loop3A_129 : i32 to index
      %parallel_loop3A_151 = tpu.vector_load %arg6[%parallel_loop3A_147, %parallel_loop3A_148, %parallel_loop3A_149, %parallel_loop3A_150] {strides = array<i32>} : memref<3x4x8x1024xf32, #tpu.memory_space<vmem>>, vector<1x1x1x16xf32>,
      %parallel_loop3A_152 = vector.shape_cast %parallel_loop3A_151 : vector<1x1x1x16xf32> to vector<16xf32>
      %parallel_loop3A_153 = vector.shape_cast %parallel_loop3A_144 : vector<16xf32> to vector<1x1x1x16xf32>
      tpu.vector_store %arg6[%parallel_loop3A_147, %parallel_loop3A_148, %parallel_loop3A_149, %parallel_loop3A_150], %parallel_loop3A_153 {strides = array<i32>} : memref<3x4x8x1024xf32, #tpu.memory_space<vmem>>, vector<1x1x1x16xf32>,
      %parallel_loop3A_154 = arith.constant 0 : i32
      %parallel_loop3A_155 = arith.constant 1 : i32
      %parallel_loop3A_156 = arith.index_cast %parallel_loop3A_154 : i32 to index
      %parallel_loop3A_157 = arith.index_cast %parallel_loop3A_155 : i32 to index
      %parallel_loop3A_158 = arith.index_cast %parallel_loop3A_125 : i32 to index
      %parallel_loop3A_159 = arith.index_cast %parallel_loop3A_129 : i32 to index
      %parallel_loop3A_160 = tpu.vector_load %arg6[%parallel_loop3A_156, %parallel_loop3A_157, %parallel_loop3A_158, %parallel_loop3A_159] {strides = array<i32>} : memref<3x4x8x1024xf32, #tpu.memory_space<vmem>>, vector<1x1x1x16xf32>,
      %parallel_loop3A_161 = vector.shape_cast %parallel_loop3A_160 : vector<1x1x1x16xf32> to vector<16xf32>
      %parallel_loop3A_162 = arith.addf %parallel_loop3A_161, %parallel_loop3A_135 : vector<16xf32>
      %parallel_loop3A_163 = arith.constant 0 : i32
      %parallel_loop3A_164 = arith.constant 1 : i32
      %parallel_loop3A_165 = arith.index_cast %parallel_loop3A_163 : i32 to index
      %parallel_loop3A_166 = arith.index_cast %parallel_loop3A_164 : i32 to index
      %parallel_loop3A_167 = arith.index_cast %parallel_loop3A_125 : i32 to index
      %parallel_loop3A_168 = arith.index_cast %parallel_loop3A_129 : i32 to index
      %parallel_loop3A_169 = tpu.vector_load %arg6[%parallel_loop3A_165, %parallel_loop3A_166, %parallel_loop3A_167, %parallel_loop3A_168] {strides = array<i32>} : memref<3x4x8x1024xf32, #tpu.memory_space<vmem>>, vector<1x1x1x16xf32>,
      %parallel_loop3A_170 = vector.shape_cast %parallel_loop3A_169 : vector<1x1x1x16xf32> to vector<16xf32>
      %parallel_loop3A_171 = vector.shape_cast %parallel_loop3A_162 : vector<16xf32> to vector<1x1x1x16xf32>
      tpu.vector_store %arg6[%parallel_loop3A_165, %parallel_loop3A_166, %parallel_loop3A_167, %parallel_loop3A_168], %parallel_loop3A_171 {strides = array<i32>} : memref<3x4x8x1024xf32, #tpu.memory_space<vmem>>, vector<1x1x1x16xf32>,
      %parallel_loop3A_172 = arith.constant 0 : i32
      %parallel_loop3A_173 = arith.constant 2 : i32
      %parallel_loop3A_174 = arith.index_cast %parallel_loop3A_172 : i32 to index
      %parallel_loop3A_175 = arith.index_cast %parallel_loop3A_173 : i32 to index
      %parallel_loop3A_176 = arith.index_cast %parallel_loop3A_125 : i32 to index
      %parallel_loop3A_177 = arith.index_cast %parallel_loop3A_129 : i32 to index
      %parallel_loop3A_178 = tpu.vector_load %arg6[%parallel_loop3A_174, %parallel_loop3A_175, %parallel_loop3A_176, %parallel_loop3A_177] {strides = array<i32>} : memref<3x4x8x1024xf32, #tpu.memory_space<vmem>>, vector<1x1x1x16xf32>,
      %parallel_loop3A_179 = vector.shape_cast %parallel_loop3A_178 : vector<1x1x1x16xf32> to vector<16xf32>
      %parallel_loop3A_180 = arith.addf %parallel_loop3A_179, %parallel_loop3A_135 : vector<16xf32>
      %parallel_loop3A_181 = arith.constant 0 : i32
      %parallel_loop3A_182 = arith.constant 2 : i32
      %parallel_loop3A_183 = arith.index_cast %parallel_loop3A_181 : i32 to index
      %parallel_loop3A_184 = arith.index_cast %parallel_loop3A_182 : i32 to index
      %parallel_loop3A_185 = arith.index_cast %parallel_loop3A_125 : i32 to index
      %parallel_loop3A_186 = arith.index_cast %parallel_loop3A_129 : i32 to index
      %parallel_loop3A_187 = tpu.vector_load %arg6[%parallel_loop3A_183, %parallel_loop3A_184, %parallel_loop3A_185, %parallel_loop3A_186] {strides = array<i32>} : memref<3x4x8x1024xf32, #tpu.memory_space<vmem>>, vector<1x1x1x16xf32>,
      %parallel_loop3A_188 = vector.shape_cast %parallel_loop3A_187 : vector<1x1x1x16xf32> to vector<16xf32>
      %parallel_loop3A_189 = vector.shape_cast %parallel_loop3A_180 : vector<16xf32> to vector<1x1x1x16xf32>
      tpu.vector_store %arg6[%parallel_loop3A_183, %parallel_loop3A_184, %parallel_loop3A_185, %parallel_loop3A_186], %parallel_loop3A_189 {strides = array<i32>} : memref<3x4x8x1024xf32, #tpu.memory_space<vmem>>, vector<1x1x1x16xf32>,
      %parallel_loop3A_190 = arith.constant 0 : i32
      %parallel_loop3A_191 = arith.constant 3 : i32
      %parallel_loop3A_192 = arith.index_cast %parallel_loop3A_190 : i32 to index
      %parallel_loop3A_193 = arith.index_cast %parallel_loop3A_191 : i32 to index
      %parallel_loop3A_194 = arith.index_cast %parallel_loop3A_125 : i32 to index
      %parallel_loop3A_195 = arith.index_cast %parallel_loop3A_129 : i32 to index
      %parallel_loop3A_196 = tpu.vector_load %arg6[%parallel_loop3A_192, %parallel_loop3A_193, %parallel_loop3A_194, %parallel_loop3A_195] {strides = array<i32>} : memref<3x4x8x1024xf32, #tpu.memory_space<vmem>>, vector<1x1x1x16xf32>,
      %parallel_loop3A_197 = vector.shape_cast %parallel_loop3A_196 : vector<1x1x1x16xf32> to vector<16xf32>
      %parallel_loop3A_198 = arith.addf %parallel_loop3A_197, %parallel_loop3A_135 : vector<16xf32>
      %parallel_loop3A_199 = arith.constant 0 : i32
      %parallel_loop3A_200 = arith.constant 3 : i32
      %parallel_loop3A_201 = arith.index_cast %parallel_loop3A_199 : i32 to index
      %parallel_loop3A_202 = arith.index_cast %parallel_loop3A_200 : i32 to index
      %parallel_loop3A_203 = arith.index_cast %parallel_loop3A_125 : i32 to index
      %parallel_loop3A_204 = arith.index_cast %parallel_loop3A_129 : i32 to index
      %parallel_loop3A_205 = tpu.vector_load %arg6[%parallel_loop3A_201, %parallel_loop3A_202, %parallel_loop3A_203, %parallel_loop3A_204] {strides = array<i32>} : memref<3x4x8x1024xf32, #tpu.memory_space<vmem>>, vector<1x1x1x16xf32>,
      %parallel_loop3A_206 = vector.shape_cast %parallel_loop3A_205 : vector<1x1x1x16xf32> to vector<16xf32>
      %parallel_loop3A_207 = vector.shape_cast %parallel_loop3A_198 : vector<16xf32> to vector<1x1x1x16xf32>
      tpu.vector_store %arg6[%parallel_loop3A_201, %parallel_loop3A_202, %parallel_loop3A_203, %parallel_loop3A_204], %parallel_loop3A_207 {strides = array<i32>} : memref<3x4x8x1024xf32, #tpu.memory_space<vmem>>, vector<1x1x1x16xf32>,
    } {sc.loop_unroll_factor = 4 : i64, sc.parallel_access}
    %add3A_81 = arith.constant 0 : i32
    %add3A_82 = arith.addi %mul3A_2, %add3A_81 : i32
    %dma_start3A_83 = arith.constant 0 : i32
    %dma_start3A_84 = arith.constant 0 : i32
    %dma_start3A_85 = arith.constant 0 : i32
    %dma_start3A_86 = arith.constant 0 : i32
    %dma_start3A_87 = arith.constant 0 : i32
    %dma_start3A_88 = tpu.memref_slice %arg6[%dma_start3A_83, %dma_start3A_85, %dma_start3A_86, %dma_start3A_87] : memref<3x4x8x1024xf32, #tpu.memory_space<vmem>> -> memref<1x4x8x1024xf32, #tpu.memory_space<vmem>>
    %dma_start3A_89 = tpu.memref_squeeze %dma_start3A_88 : memref<1x4x8x1024xf32, #tpu.memory_space<vmem>> -> memref<4x8x1024xf32, #tpu.memory_space<vmem>>
    %dma_start3A_90 = arith.constant 0 : i32
    %dma_start3A_91 = arith.constant 0 : i32
    %dma_start3A_92 = tpu.memref_slice %arg4[%dma_start3A_90, %add3A_82, %dma_start3A_91] : memref<4x256x1024xf32, #tpu.memory_space<hbm>> -> memref<4x8x1024xf32, #tpu.memory_space<hbm>>
    %dma_start3A_93 = tpu.memref_slice %arg9[%dma_start3A_84] : memref<3x!tpu.dma_semaphore, #tpu.memory_space<semaphore_mem>> -> memref<1x!tpu.dma_semaphore, #tpu.memory_space<semaphore_mem>>
    %dma_start3A_94 = tpu.memref_squeeze %dma_start3A_93 : memref<1x!tpu.dma_semaphore, #tpu.memory_space<semaphore_mem>> -> memref<!tpu.dma_semaphore, #tpu.memory_space<semaphore_mem>>
    %dma_start3A_95 = arith.constant 0 : i32
    %dma_start3A_96 = arith.constant 0 : i32
    %dma_start3A_97 = tpu.memref_slice %arg4[%dma_start3A_95, %add3A_82, %dma_start3A_96] : memref<4x256x1024xf32, #tpu.memory_space<hbm>> -> memref<4x8x1024xf32, #tpu.memory_space<hbm>>
    %dma_start3A_98 = arith.constant 0 : i32
    %dma_start3A_99 = arith.constant 0 : i32
    %dma_start3A_100 = arith.constant 0 : i32
    %dma_start3A_101 = tpu.memref_slice %arg6[%dma_start3A_83, %dma_start3A_98, %dma_start3A_99, %dma_start3A_100] : memref<3x4x8x1024xf32, #tpu.memory_space<vmem>> -> memref<1x4x8x1024xf32, #tpu.memory_space<vmem>>
    %dma_start3A_102 = tpu.memref_squeeze %dma_start3A_101 : memref<1x4x8x1024xf32, #tpu.memory_space<vmem>> -> memref<4x8x1024xf32, #tpu.memory_space<vmem>>
    tpu.enqueue_dma source(%dma_start3A_102 : memref<4x8x1024xf32, #tpu.memory_space<vmem>>) target(%dma_start3A_97 : memref<4x8x1024xf32, #tpu.memory_space<hbm>>) target_semaphore(%dma_start3A_94 : memref<!tpu.dma_semaphore, #tpu.memory_space<semaphore_mem>>)
    %dma_wait3A_103 = arith.constant 0 : i32
    %dma_wait3A_104 = arith.constant 0 : i32
    %dma_wait3A_105 = arith.constant 0 : i32
    %dma_wait3A_106 = arith.constant 0 : i32
    %dma_wait3A_107 = arith.constant 0 : i32
    %dma_wait3A_108 = tpu.memref_slice %arg6[%dma_wait3A_103, %dma_wait3A_105, %dma_wait3A_106, %dma_wait3A_107] : memref<3x4x8x1024xf32, #tpu.memory_space<vmem>> -> memref<1x4x8x1024xf32, #tpu.memory_space<vmem>>
    %dma_wait3A_109 = tpu.memref_squeeze %dma_wait3A_108 : memref<1x4x8x1024xf32, #tpu.memory_space<vmem>> -> memref<4x8x1024xf32, #tpu.memory_space<vmem>>
    %dma_wait3A_110 = arith.constant 0 : i32
    %dma_wait3A_111 = arith.constant 0 : i32
    %dma_wait3A_112 = tpu.memref_slice %arg4[%dma_wait3A_110, %add3A_82, %dma_wait3A_111] : memref<4x256x1024xf32, #tpu.memory_space<hbm>> -> memref<4x8x1024xf32, #tpu.memory_space<hbm>>
    %dma_wait3A_113 = tpu.memref_slice %arg9[%dma_wait3A_104] : memref<3x!tpu.dma_semaphore, #tpu.memory_space<semaphore_mem>> -> memref<1x!tpu.dma_semaphore, #tpu.memory_space<semaphore_mem>>
    %dma_wait3A_114 = tpu.memref_squeeze %dma_wait3A_113 : memref<1x!tpu.dma_semaphore, #tpu.memory_space<semaphore_mem>> -> memref<!tpu.dma_semaphore, #tpu.memory_space<semaphore_mem>>
    %dma_wait3A_115 = arith.constant 0 : i32
    %dma_wait3A_116 = arith.constant 0 : i32
    %dma_wait3A_117 = tpu.memref_slice %arg4[%dma_wait3A_115, %add3A_82, %dma_wait3A_116] : memref<4x256x1024xf32, #tpu.memory_space<hbm>> -> memref<4x8x1024xf32, #tpu.memory_space<hbm>>
    %dma_wait3A_118 = arith.constant 0 : i32
    %dma_wait3A_119 = arith.constant 0 : i32
    %dma_wait3A_120 = arith.constant 0 : i32
    %dma_wait3A_121 = tpu.memref_slice %arg6[%dma_wait3A_103, %dma_wait3A_118, %dma_wait3A_119, %dma_wait3A_120] : memref<3x4x8x1024xf32, #tpu.memory_space<vmem>> -> memref<1x4x8x1024xf32, #tpu.memory_space<vmem>>
    %dma_wait3A_122 = tpu.memref_squeeze %dma_wait3A_121 : memref<1x4x8x1024xf32, #tpu.memory_space<vmem>> -> memref<4x8x1024xf32, #tpu.memory_space<vmem>>
    tpu.wait_dma2 semaphore(%dma_wait3A_114 : memref<!tpu.dma_semaphore, #tpu.memory_space<semaphore_mem>>) src(%dma_wait3A_122 : memref<4x8x1024xf32, #tpu.memory_space<vmem>>) dst(%dma_wait3A_117 : memref<4x8x1024xf32, #tpu.memory_space<hbm>>)
    return
  }
}

module attributes {stable_mosaic.version = 14 : i64} {
  func.func @_tc_add_body(%arg0: i32, %arg1: i32, %arg2: memref<1x1792x1024xf32, #tpu.memory_space<vmem>>, %arg3: memref<1792x1024xf32, #tpu.memory_space<vmem>>, %arg4: memref<1x1792x1024xf32, #tpu.memory_space<vmem>>) attributes {dimension_semantics = [#tpu.dimension_semantics<arbitrary>, #tpu.dimension_semantics<arbitrary>], iteration_bounds = array<i64: 1, 4>, scalar_prefetch = 0 : i64, scratch_operands = 0 : i64, tpu.core_type = #tpu.core_type<tc>, window_params = [{transform_indices = @transform_0, window_bounds = array<i64: 1, 1792, 1024>}, {transform_indices = @transform_1, window_bounds = array<i64: 1792, 1024>}, {transform_indices = @transform_2, window_bounds = array<i64: 1, 1792, 1024>}]} {
    %get3A = arith.constant 0 : index
    %get3A_0 = arith.constant 0 : index
    %get3A_1 = arith.constant 0 : index
    %get3A_2 = vector.load %arg2[%get3A, %get3A_0, %get3A_1] : memref<1x1792x1024xf32, #tpu.memory_space<vmem>>, vector<1x1792x1024xf32>
    %get3A_3 = arith.constant 0 : index
    %get3A_4 = arith.constant 0 : index
    %get3A_5 = vector.load %arg3[%get3A_3, %get3A_4] : memref<1792x1024xf32, #tpu.memory_space<vmem>>, vector<1792x1024xf32>
    %broadcast_in_dim3A = vector.shape_cast %get3A_5 : vector<1792x1024xf32> to vector<1x1792x1024xf32>
    %add3A = arith.addf %get3A_2, %broadcast_in_dim3A : vector<1x1792x1024xf32>
    %swap3A = arith.constant 0 : index
    %swap3A_6 = arith.constant 0 : index
    %swap3A_7 = arith.constant 0 : index
    %swap3A_8 = vector.load %arg4[%swap3A, %swap3A_6, %swap3A_7] : memref<1x1792x1024xf32, #tpu.memory_space<vmem>>, vector<1x1792x1024xf32>
    tpu.vector_store %arg4[%swap3A, %swap3A_6, %swap3A_7], %add3A {strides = array<i32>} : memref<1x1792x1024xf32, #tpu.memory_space<vmem>>, vector<1x1792x1024xf32>,
    return
  }
  func.func @transform_0(%arg0: i32, %arg1: i32) -> (i32, i32, i32) {
    %c0_i32 = arith.constant 0 : i32
    %c0_i32_0 = arith.constant 0 : i32
    return %arg1, %arg0, %c0_i32 : i32, i32, i32
  }
  func.func @transform_1(%arg0: i32, %arg1: i32) -> (i32, i32) {
    %c0_i32 = arith.constant 0 : i32
    %c0_i32_0 = arith.constant 0 : i32
    return %arg0, %c0_i32 : i32, i32
  }
  func.func @transform_2(%arg0: i32, %arg1: i32) -> (i32, i32, i32) {
    %c0_i32 = arith.constant 0 : i32
    %c0_i32_0 = arith.constant 0 : i32
    return %arg1, %arg0, %c0_i32 : i32, i32, i32
  }
}

module attributes {stable_mosaic.version = 14 : i64} {
  func.func @_stitch_body(%arg0: i32, %arg1: memref<4x2048x1024xf32, #tpu.memory_space<any>>, %arg2: memref<1x256x1024xf32, #tpu.memory_space<vmem>>, %arg3: memref<1x256x1024xf32, #tpu.memory_space<vmem>>) attributes {dimension_semantics = [#tpu.dimension_semantics<arbitrary>], iteration_bounds = array<i64: 4>, scalar_prefetch = 0 : i64, scratch_operands = 0 : i64, tpu.core_type = #tpu.core_type<tc>, window_params = [{}, {transform_indices = @transform_1, window_bounds = array<i64: 1, 256, 1024>}, {transform_indices = @transform_2, window_bounds = array<i64: 1, 256, 1024>}]} {
    %get3A = arith.constant 0 : index
    %get3A_0 = arith.constant 0 : index
    %get3A_1 = arith.constant 0 : index
    %get3A_2 = vector.load %arg2[%get3A, %get3A_0, %get3A_1] : memref<1x256x1024xf32, #tpu.memory_space<vmem>>, vector<1x256x1024xf32>
    %swap3A = arith.constant 0 : index
    %swap3A_3 = arith.constant 0 : index
    %swap3A_4 = arith.constant 0 : index
    %swap3A_5 = vector.load %arg3[%swap3A, %swap3A_3, %swap3A_4] : memref<1x256x1024xf32, #tpu.memory_space<vmem>>, vector<1x256x1024xf32>
    tpu.vector_store %arg3[%swap3A, %swap3A_3, %swap3A_4], %get3A_2 {strides = array<i32>} : memref<1x256x1024xf32, #tpu.memory_space<vmem>>, vector<1x256x1024xf32>,
    return
  }
  func.func @transform_1(%arg0: i32) -> (i32, i32, i32) {
    %c0_i32 = arith.constant 0 : i32
    %c0_i32_0 = arith.constant 0 : i32
    %c0_i32_1 = arith.constant 0 : i32
    return %arg0, %c0_i32, %c0_i32_0 : i32, i32, i32
  }
  func.func @transform_2(%arg0: i32) -> (i32, i32, i32) {
    %c7_i32 = arith.constant 7 : i32
    %c0_i32 = arith.constant 0 : i32
    %c0_i32_0 = arith.constant 0 : i32
    return %arg0, %c7_i32, %c0_i32 : i32, i32, i32
  }
}

</mosaic_0001>

<sc_bundles>
// kernel: kernel.5.cloned.1.call-start
scs
__scs_entry_jumppad:
0x0: {  	(pc) =	sbr.rel $0x88, $3  }
0x1: {  	(tag) =	ssettag $0x0;
	lr =	simm.s32 $0x1  }
0x2: {  	[smem:$0x3F9F] =	sst lr;
	_ =	strace $0xD0000000  }
0x3: {  	_ = 	snop  }
0x4: {  	_ = 	snop  }
0x5: {  	_ = 	snop  }
0x6: {  	_ = 	snop  }
0x7: {  	_ = 	snop  }
__scs_overlays_trampoline_lowered:
0x8: {  	[smem:$0x3FAE] =	sst s0  }
0x9: {  	[smem:$0x3FAF] =	sst s1  }
0xa: {  	[smem:$0x3FB0] =	sst s2  }
0xb: {  	[smem:$0x3FB1] =	sst s3  }
0xc: {  	[smem:$0x3FB2] =	sst s4  }
0xd: {  	[smem:$0x3FB3] =	sst s5  }
0xe: {  	[smem:$0x3FB4] =	sst s6  }
0xf: {  	[smem:$0x3FB5] =	sst s7  }
0x10: {  	[smem:$0x3FB6] =	sst s8  }
0x11: {  	[smem:$0x3FB7] =	sst s9;
	s0 =	simm.s32 @!p0 $0x0  }
0x12: {  	s1 =	sld [smem:$0x3F9D];
	s0 =	simm.s32 @p0 $0x1  }
0x13: {  	[smem:$0x3FB8] =	sst s0;
	s0 =	simm.s32 @!p1 $0x0  }
0x14: {  	s2 =	sld [smem:$0x3F9C];
	s0 =	simm.s32 @p1 $0x1  }
0x15: {  	[smem:$0x3FB9] =	sst s0;
	s0 =	simm.s32 @!p2 $0x0  }
0x16: {  	s3 =	sld [smem:$0x3FDB];
	s0 =	simm.s32 @p2 $0x1  }
0x17: {  	s4 =	simm.s32 $0x1BF5;
	[smem:$0x3FBB] =	sst s0  }
0x18: {  	s0 =	sld [smem:$0x3F9E];
	_ =	swait.ge [sflag:s4], $0x0  }
0x19: {  	s7 =	sld [smem:$0x3F9F]  }
0x1a: {  	s8 =	sadd.s32 $0xFFFFE003, lr  }
0x1b: {  	s9 =	sadd.s32 $0xFFFFFEF7, lr;
	s5 =	simm.s32 $0xFFFFFFFF;
	p2 =	slt.u32 s8, $0xFFFFF086  }
0x1c: {  	p1 =	slt.u32 s9, $0xF7A;
	s5 =	simm.s32 @!p2 $0x0  }
0x1d: {  	s5 =	simm.s32 @p1 $0x1;
	p0 =	seq.s32 s7, s2  }
0x1e: {  	s7 =	smul.u32 @!p0 $0xF7A, s2;
	p2 =	seq.s32 @!p0 s5, $0x0  }
0x1f: {  	s9 =	smul.u32 $0xF7A, s1;
	s8 =	simm.s32 @!p0 $0x1BF5;
	p2 =	por !p2, p0  }
0x20: {  	[sflag:s8] =	ssyncset.s32 @!p0 $0xFFFFF086;
	s6 =	sadd.s32 @!p0 s3, s7;
	s7 =	simm.s32 @!p0 $0x108  }
0x21: {  	s3 =	sadd.s32 s3, s9;
	s6 =	sadd.s32 @!p0 $0x88, s6;
	s7 =	simm.s32 @p2 $0x1082  }
0x22: {  	[simem:s7], [sflag:s8] =	dma.local @!p0 [hbm:s6], $0xF7A  }
0x23: {  	s9 =	sor.u32 $0xD0000000, s2;
	s6 =	simm.s32 $0x108;
	_ =	swait.ge @!p0 [sflag:s8], $0x0  }
0x24: {  	s3 =	sadd.s32 $0x88, s3;
	s6 =	simm.s32 @!p1 $0x1082;
	[sflag:s4] =	ssyncset.s32 $0xFFFFF086  }
0x25: {  	[simem:s6], [sflag:s4] =	dma.local [hbm:s3], $0xF7A  }
0x26: {  	[smem:$0x3F9F] =	sst s1;
	(tag) =	ssettag s2;
	_ =	strace s9  }
0x27: {  	s1 =	sld [smem:$0x3FAF]  }
0x28: {  	s2 =	sld [smem:$0x3FB0]  }
0x29: {  	s4 =	sld [smem:$0x3FB2]  }
0x2a: {  	p0 =	seq.s32 s5, $0x0;
	s5 =	sld [smem:$0x3FB3]  }
0x2b: {  	s6 =	sld [smem:$0x3FB4]  }
0x2c: {  	s7 =	sld [smem:$0x3FB5]  }
0x2d: {  	s3 =	simm.s32 $0x108;
	s8 =	sld [smem:$0x3FB6]  }
0x2e: {  	s3 =	simm.s32 @!p0 $0x1082;
	s9 =	sld [smem:$0x3FB7]  }
0x2f: {  	lr =	sadd.s32 s0, s3;
	s0 =	sld [smem:$0x3FAE]  }
0x30: {  	s3 =	sld [smem:$0x3FB1]  }
0x31: {  	[smem:$0x3FBA] =	sst s10  }
0x32: {  	s10 =	sld [smem:$0x3FB8];
	_ =	sdelay $0x3  }
0x33: {  	p0 =	seq.s32 s10, $0x1;
	s10 =	sld [smem:$0x3FBA];
	_ =	sdelay $0x3  }
0x34: {  	[smem:$0x3FBA] =	sst s10  }
0x35: {  	s10 =	sld [smem:$0x3FB9];
	_ =	sdelay $0x3  }
0x36: {  	p1 =	seq.s32 s10, $0x1;
	s10 =	sld [smem:$0x3FBA];
	_ =	sdelay $0x3  }
0x37: {  	[smem:$0x3FBA] =	sst s10  }
0x38: {  	s10 =	sld [smem:$0x3FBB]  }
0x39: {  	_ = 	snop;
	(pc) =	sbr.ind lr, $3  }
0x3a: {  	_ = 	snop  }
0x3b: {  	_ = 	snop  }
0x3c: {  	p2 =	seq.s32 s10, $0x1;
	s10 =	sld [smem:$0x3FBA]  }
0x3d: {  	_ =	shalt  }
0x3e: {  	_ =	shalt  }
0x3f: {  	_ =	shalt  }
0x40: {  	_ =	shalt  }
0x41: {  	_ =	shalt  }
0x42: {  	_ =	shalt  }
0x43: {  	_ =	shalt  }
0x44: {  	_ =	shalt  }
0x45: {  	_ =	shalt  }
0x46: {  	_ =	shalt  }
0x47: {  	_ =	shalt  }
0x48: {  	_ =	shalt  }
0x49: {  	_ =	shalt  }
0x4a: {  	_ =	shalt  }
0x4b: {  	_ =	shalt  }
0x4c: {  	_ =	shalt  }
0x4d: {  	_ =	shalt  }
0x4e: {  	_ =	shalt  }
0x4f: {  	_ =	shalt  }
0x50: {  	_ =	shalt  }
0x51: {  	_ =	shalt  }
0x52: {  	_ =	shalt  }
0x53: {  	_ =	shalt  }
0x54: {  	_ =	shalt  }
0x55: {  	_ =	shalt  }
0x56: {  	_ =	shalt  }
0x57: {  	_ =	shalt  }
0x58: {  	_ =	shalt  }
0x59: {  	_ =	shalt  }
0x5a: {  	_ =	shalt  }
0x5b: {  	_ =	shalt  }
0x5c: {  	_ =	shalt  }
0x5d: {  	_ =	shalt  }
0x5e: {  	_ =	shalt  }
0x5f: {  	_ =	shalt  }
0x60: {  	_ =	shalt  }
0x61: {  	_ =	shalt  }
0x62: {  	_ =	shalt  }
0x63: {  	_ =	shalt  }
0x64: {  	_ =	shalt  }
0x65: {  	_ =	shalt  }
0x66: {  	_ =	shalt  }
0x67: {  	_ =	shalt  }
0x68: {  	_ =	shalt  }
0x69: {  	_ =	shalt  }
0x6a: {  	_ =	shalt  }
0x6b: {  	_ =	shalt  }
0x6c: {  	_ =	shalt  }
0x6d: {  	_ =	shalt  }
0x6e: {  	_ =	shalt  }
0x6f: {  	_ =	shalt  }
0x70: {  	_ =	shalt  }
0x71: {  	_ =	shalt  }
0x72: {  	_ =	shalt  }
0x73: {  	_ =	shalt  }
0x74: {  	_ =	shalt  }
0x75: {  	_ =	shalt  }
0x76: {  	_ =	shalt  }
0x77: {  	_ =	shalt  }
0x78: {  	_ =	shalt  }
0x79: {  	_ =	shalt  }
0x7a: {  	_ =	shalt  }
0x7b: {  	_ =	shalt  }
0x7c: {  	_ =	shalt  }
0x7d: {  	_ =	shalt  }
0x7e: {  	_ =	shalt  }
0x7f: {  	_ =	shalt  }
0x80: {  	_ =	shalt  }
0x81: {  	_ =	shalt  }
0x82: {  	_ =	shalt  }
0x83: {  	_ =	shalt  }
0x84: {  	_ =	shalt  }
0x85: {  	_ =	shalt  }
0x86: {  	_ =	shalt  }
0x87: {  	_ =	shalt  }
.Lfunc_end0:
.L_simem_size_0:
called_computation_lowered:
.L_overlay_start_0:
0x88: {  	s2 =	sld [smem:$0x3FD9]  }
0x89: {  	s3 =	sld [smem:$0x3FFE];
	_ =	sdelay $0x1  }
0x8a: {  	s1 =	srdreg.scid  }
0x8b: {  	s0 =	sand.u32 $0x1, s1  }
0x8c: {  	s17 =	sshll.u32 s0, $0xA;
	s2 =	sadd.s32 s3, s2  }
0x8d: {  	s2 =	sadd.s32 s2, s17  }
0x8e: {  	[smem:$0x3FC6] =	sst s2  }
0x8f: {  	_ = 	snop  }
0x90: {  	s2 =	sld [smem:$0x3FC9]  }
0x91: {  	s18 =	sld [smem:$0x3FC8];
	(tm) =	ssettm $0x1  }
0x92: {  	s4 =	sld [smem:$0x3FFB];
	_ =	sdelay $0x3  }
0x93: {  	_ =	strace s4  }
0x94: {  	s4 =	sld [smem:$0x3FFC];
	_ =	sdelay $0x3  }
0x95: {  	_ =	strace s4  }
0x96: {  	s4 =	sld [smem:$0x3FFD];
	_ =	sdelay $0x3  }
0x97: {  	_ =	strace s4  }
0x98: {  	_ =	strace $0x8FFFFFFF  }
0x99: {  	s19 =	sld [smem:$0x3FDB];
	_ =	sdelay $0x1  }
0x9a: {  	s5 =	simm.s32 $_scs_section_size  }
0x9b: {  	s6 =	simm.s32 $_size__tile_overlayer_lowered;
	s7 =	simm.s32 $_tile_overlayer_lowered  }
0x9c: {  	s22 =	simm.s32 $0x1BFF;
	s21 =	sshll.u32 s7, $0x1;
	s4 =	sadd.s32 s5, s19  }
0x9d: {  	s8 =	simm.s32 $0x0;
	s20 =	sshll.u32 s6, $0x1;
	s6 =	sadd.s32 s21, s4  }
0x9e: {  	[timem:s8], [sflag:s22] =	dma.local [hbm:s6], s20  }
0x9f: {  	_ =	swait.ge [sflag:s22], s20  }
0xa0: {  	s5 =	ssub.s32 $0x0, s20;
	[sflag:s22] =	ssyncset.done $0x0  }
0xa1: {  	[sflag:s22] =	ssyncadd.s32 s5;
	_ =	sdelay $0x1  }
0xa2: {  	s23 =	simm.s32 $0x1B8B  }
0xa3: {  	_ =	swait.ge [sflag:s23], $0x1  }
0xa4: {  	[sflag:s23] =	ssyncset.done $0x0  }
0xa5: {  	s25 =	simm.s32 $0x1B8E;
	s24 =	sld [smem:$0x3FFE];
	[sflag:s23] =	ssyncadd.s32 $0xFFFFFFFF  }
0xa6: {  	s26 =	simm.s32 $execute0_lowered;
	[smem:$0x3FD2] =	sst s25  }
0xa7: {  	s6 =	sshll.u32 s26, $0x1;
	_ =	strace $0x80000046;
	[dreg:$0x1] =	wrdreg $0xFFFFFFFF  }
0xa8: {  	s28 =	simm.s32 $_size_execute0_lowered;
	s4 =	sadd.s32 s4, s6;
	[dreg:$0x0] =	wrdreg $0x0  }
0xa9: {  	s6 =	sshll.u32 s28, $0x1;
	[dreg:$0x2] =	wrdreg s4  }
0xaa: {  	[dreg:$0x3] =	wrdreg s6  }
0xab: {  	[dreg:$0x4] =	wrdreg $0xC0  }
0xac: {  	_ =	task [dreg:s8], $0x5FFFF  }
0xad: {  	[dreg:$0x1] =	wrdreg $0xFFFFFFFF  }
0xae: {  	[dreg:$0x0] =	wrdreg $0x60  }
0xaf: {  	[dreg:$0x2] =	wrdreg s2  }
0xb0: {  	[dreg:$0x3] =	wrdreg s18  }
0xb1: {  	[dreg:$0x4] =	wrdreg s24  }
0xb2: {  	[dreg:$0x5] =	wrdreg $0x9  }
0xb3: {  	_ =	task.clear_ibuf [dreg:s8], $0x6FFFF;
	_ =	strace $0x90000046  }
0xb4: {  	s29 =	simm.s32 $0x9;
	_ =	strace $0x80000048  }
0xb5: {  	_ =	swait.ge [sflag:s29], $0x1  }
0xb6: {  	[sflag:s29] =	ssyncadd.s32 $0xFFFFFFFF  }
0xb7: {  	_ =	strace $0x90000048  }
0xb8: {  	_ =	sfence  }
0xb9: {  	s30 =	sld [smem:$0x0];
	_ =	sdelay $0x2  }
0xba: {  	s31 =	sshll.u32 s1, $0xD;
	s1 =	sshrl.u32 s1, $0x2  }
0xbb: {  	s3 =	sand.u32 $0x4000, s31;
	s1 =	sadd.s32 s1, s30  }
0xbc: {  	s0 =	sor.u32 s3, s0;
	s1 =	sshll.u32 s1, $0x11  }
0xbd: {  	s0 =	sor.u32 s1, s0  }
0xbe: {  	s0 =	sadd.s32 $0x8F2B, s0  }
0xbf: {  	[sflag:s0] =	ssyncadd.remote.s32 $0x1  }
0xc0: {  	_ =	sfence.sel $0xFFFF  }
0xc1: {  	[dreg:$0x0] =	wrdreg $0xFFFFFFFF;
	(pc) =	sbr.abs _section_cstart, $3  }
0xc2: {  	[dreg:$0x1] =	wrdreg $0xFFFFFFFF  }
0xc3: {  	_ =	task.clear_ibuf [dreg:s8], $0x2FFFF;
	_ =	strace $0x9FFFFFFF  }
0xc4: {  	(tm) =	ssettm $0x7FFFFFFF  }
0xc5: {  	_ =	shalt  }
tec
execute0_lowered:
.L_overlay_start_1:
0x0: {  	(tag) =	ssettag $0x1  }
0x1: {  	s4 =	srdreg.scid  }
0x2: {  	s0 =	rddreg [dreg:$0x0];
	s26 =	stileid.u32;
	s4 =	sand.u32 $0x1, s4  }
0x3: {  	s1 =	rddreg [dreg:$0x1];
	s5 =	sshll.u32 s26, $0xB;
	s6 =	sshll.u32 s4, $0xA  }
0x4: {  	s3 =	rddreg [dreg:$0x2];
	s2 =	simm.s32 $0x0;
	s5 =	sor.u32 s6, s5  }
0x5: {  	[smem:$0x7FF] =	sst s2;
	s4 =	ssub.s32 $0x2, s4;
	s29 =	sor.u32 $0x38000, s5  }
0x6: {  	_ =	strace $0x80000047;
	s28 =	sshrl.u32 s4, $0x1;
	s1 =	sadd.s32 s1, s29  }
0x7: {  	s3 =	sadd.s32 s5, s3;
	s0 =	sadd.s32 s0, s29;
	[dreg:$0x5] =	wrdreg s1  }
0x8: {  	s6 =	ssub.s32 s4, s28;
	s30 =	sadd.s32 $0x800, s3;
	[dreg:$0x6] =	wrdreg s0  }
0x9: {  	s4 =	simm.s32 $0x6000;
	s31 =	smax.u32 s6, $0x1;
	[dreg:$0x7] =	wrdreg s30  }
0xa: {  	s3 =	simm.s32 $0x0;
	[dreg:$0x8] =	wrdreg s31;
	s1 =	simm.s32 $0x2000  }
.LBB2_1:
0xb: {  	[dreg:$0x9] =	wrdreg s3  }
0xc: {  	s2 =	simm.s32 $0x0;
	s0 =	rddreg [dreg:$0x5]  }
0xd: {  	[tilespmem:s2], [sflag:$0x1] =	stream.linear.gather [hbm4b:s0+s2], $0x2000, $0x38;
	[tilespmem:$0x1E000] =	vst v63  }
0xe: {  	s10 =	rddreg [dreg:$0x6];
	s11 =	simm.s32 $0x200000;
	s12 =	simm.s32 $0x1  }
0xf: {  	[tilespmem:s4], [sflag:$0x4] =	stream.strided.gather [hbm4b:s10+s1], $0x8000, s11, s1, $0x38;
	[tilespmem:$0x1E000] =	vst v63  }
0x10: {  	_ =	swait.ge [sflag:s12], $0x2000  }
0x11: {  	[sflag:s12] =	ssyncset.done $0x0  }
0x12: {  	s13 =	simm.s32 $0x4;
	s14 =	sand.u32 $0x40, s2;
	[sflag:s12] =	ssyncadd.s32 $0xFFFFE000  }
0x13: {  	s24 =	sand.u32 $0x1C00, s2;
	s25 =	sand.u32 $0x380, s2;
	_ =	swait.ge [sflag:s13], $0x8000  }
0x14: {  	s3 =	sor.u32 s25, s24;
	s26 =	sor.u32 $0x30, s14;
	[sflag:s13] =	ssyncset.done $0x0  }
0x15: {  	s8 =	sor.u32 $0xC000, s3;
	s2 =	sor.u32 s26, s3;
	[sflag:s13] =	ssyncadd.s32 $0xFFFF8000  }
0x16: {  	s22 =	sor.u32 s26, s8;
	s12 =	sor.u32 $0x8000, s3;
	v0 =	vld [tilespmem:s2+$0x0]  }
0x17: {  	s24 =	sor.u32 $0xA000, s3;
	s20 =	sor.u32 s14, s12;
	v5 =	vld [tilespmem:s22+$0x0]  }
0x18: {  	s28 =	sor.u32 s14, s24;
	v1 =	vld [tilespmem:s20+$0x0]  }
0x19: {  	s25 =	sor.u32 $0x10, s14;
	s17 =	sor.u32 s14, s8;
	v2 =	vld [tilespmem:s28+$0x0]  }
0x1a: {  	s16 =	sor.u32 s25, s12;
	v3 =	vld [tilespmem:s17+$0x0]  }
0x1b: {  	s15 =	sor.u32 s25, s24;
	v4 =	vld [tilespmem:s16+$0x0]  }
0x1c: {  	s30 =	sor.u32 $0x20, s14;
	s23 =	sor.u32 s25, s8;
	v9 =	vld [tilespmem:s15+$0x0]  }
0x1d: {  	s21 =	sor.u32 s30, s12;
	v7 =	vld [tilespmem:s23+$0x0]  }
0x1e: {  	s18 =	sor.u32 s30, s24;
	v6 =	vld [tilespmem:s21+$0x0]  }
0x1f: {  	s1 =	sor.u32 s26, s24;
	s24 =	sor.u32 s25, s3;
	v8 =	vld [tilespmem:s18+$0x0];
	v5 =	vadd.f32 v5, v0  }
0x20: {  	s19 =	sor.u32 s30, s8;
	v10 =	vld [tilespmem:s24+$0x0]  }
0x21: {  	s8 =	sor.u32 s26, s12;
	[tilespmem:s22+$0x0] =	vst v5;
	v5 =	vld [tilespmem:s19+$0x0]  }
0x22: {  	v14 =	vld [tilespmem:s8+$0x0]  }
0x23: {  	s22 =	sor.u32 s14, s3;
	v13 =	vld [tilespmem:s1+$0x0]  }
0x24: {  	s29 =	simm.s32 $0x0;
	s31 =	simm.s32 $0x0;
	v11 =	vld [tilespmem:s22+$0x0]  }
0x25: {  	s0 =	simm.s32 $0x0;
	s25 =	sor.u32 s30, s3;
	s30 =	simm.s32 $0x40;
	v12 =	vld [tilespmem:s22+$0x6000]  }
.LBB2_2:
0x26: {  	_ = 	snop  }
0x27: {  	s31 =	sadd.s32 $0x8, s31;
	s0 =	sadd.s32 $0x200, s0  }
0x28: {  	v15 =	vld [tilespmem:s24+$0x6000];
	s12 =	sand.u32 $0x1C00, s0;
	s7 =	sand.u32 $0x380, s31  }
0x29: {  	s3 =	sand.u32 $0x40, s30;
	v16 =	vld [tilespmem:s25+$0x0];
	s7 =	sor.u32 s7, s12;
	v14 =	vadd.f32 v14, v0;
	v13 =	vadd.f32 v13, v0  }
0x2a: {  	v17 =	vld [tilespmem:s25+$0x6000];
	s4 =	sor.u32 $0x30, s3;
	s5 =	sor.u32 $0xC000, s7;
	v1 =	vadd.f32 v1, v11;
	v2 =	vadd.f32 v2, v11  }
0x2b: {  	v12 =	vadd.f32 v12, v11;
	v3 =	vadd.f32 v3, v11;
	v11 =	vld [tilespmem:s2+$0x6000];
	s6 =	sor.u32 s4, s5;
	[tilespmem:s8+$0x0] =	vst v14  }
0x2c: {  	s9 =	sor.u32 $0x10, s3;
	s12 =	sor.u32 s4, s7;
	v7 =	vadd.f32 v7, v10;
	[tilespmem:s1+$0x0] =	vst v13;
	v14 =	vld [tilespmem:s6+$0x0]  }
0x2d: {  	[dreg:$0x4] =	wrdreg s2;
	s2 =	sor.u32 s9, s5;
	[tilespmem:s17+$0x0] =	vst v3;
	s17 =	sor.u32 s3, s5;
	v13 =	vld [tilespmem:s12+$0x0]  }
0x2e: {  	s8 =	sor.u32 $0x8000, s7;
	[tilespmem:s23+$0x0] =	vst v7;
	s23 =	smov.u32 s2;
	v3 =	vld [tilespmem:s17+$0x0]  }
0x2f: {  	v4 =	vadd.f32 v4, v10;
	s1 =	sor.u32 $0xA000, s7;
	[tilespmem:s20+$0x0] =	vst v1;
	s20 =	sor.u32 s3, s8;
	v7 =	vld [tilespmem:s23+$0x0]  }
0x30: {  	v9 =	vadd.f32 v9, v10;
	[tilespmem:s28+$0x0] =	vst v2;
	s28 =	sor.u32 s3, s1;
	v1 =	vld [tilespmem:s20+$0x0]  }
0x31: {  	s10 =	sor.u32 $0x20, s3;
	v5 =	vadd.f32 v5, v16;
	[tilespmem:s16+$0x0] =	vst v4;
	s11 =	sor.u32 s9, s8;
	v2 =	vld [tilespmem:s28+$0x0]  }
0x32: {  	v6 =	vadd.f32 v6, v16;
	s5 =	sor.u32 s10, s5;
	[tilespmem:s15+$0x0] =	vst v9;
	s13 =	sor.u32 s9, s1;
	v4 =	vld [tilespmem:s11+$0x0]  }
0x33: {  	v8 =	vadd.f32 v8, v16;
	s14 =	sor.u32 s10, s8;
	[tilespmem:s19+$0x0] =	vst v5;
	s19 =	smov.u32 s5;
	v9 =	vld [tilespmem:s13+$0x0]  }
0x34: {  	s26 =	sor.u32 s10, s1;
	[tilespmem:s21+$0x0] =	vst v6;
	s21 =	smov.u32 s14;
	v5 =	vld [tilespmem:s19+$0x0]  }
0x35: {  	s29 =	sadd.s32 $0x4, s29;
	v15 =	vadd.f32 v15, v10;
	s3 =	sor.u32 s3, s7;
	[tilespmem:s18+$0x0] =	vst v8;
	s18 =	smov.u32 s26;
	v6 =	vld [tilespmem:s21+$0x0]  }
0x36: {  	p0 =	slt.u32 s29, $0x1FC;
	v10 =	vadd.f32 v17, v16;
	[tilespmem:s22+$0x6000] =	vst v12;
	s9 =	sor.u32 s9, s7;
	s22 =	smov.u32 s3;
	v8 =	vld [tilespmem:s18+$0x0]  }
.Ltmp0:
0x37: {  	[tilespmem:s24+$0x6000] =	vst v15;
	s24 =	smov.u32 s9;
	v12 =	vld [tilespmem:s22+$0x6000];
	(pc) =	sbr.rel @p0 .LBB2_2-.Ltmp0, $4  }
0x38: {  	s1 =	sor.u32 s4, s1;
	[tilespmem:s25+$0x6000] =	vst v10;
	v63 =	vadd.f32 v11, v0;
	v10 =	vld [tilespmem:s24+$0x0];
	v0 =	vmov v13  }
0x39: {  	s8 =	sor.u32 s4, s8;
	s26 =	rddreg [dreg:$0x4];
	v13 =	vld [tilespmem:s1+$0x0];
	v11 =	vadd.f32 v14, v0  }
0x3a: {  	s30 =	sadd.s32 $0x40, s30;
	s2 =	smov.u32 s12;
	s7 =	sor.u32 s10, s7;
	[tilespmem:s26+$0x6000] =	vst v63;
	v14 =	vld [tilespmem:s8+$0x0]  }
0x3b: {  	s16 =	smov.u32 s11;
	s15 =	smov.u32 s13;
	s25 =	smov.u32 s7;
	[tilespmem:s6+$0x0] =	vst v11;
	v11 =	vld [tilespmem:s22+$0x0]  }
0x3c: {  	_ = 	snop  }
0x3d: {  	v55 =	vadd.f32 v4, v10  }
0x3e: {  	v15 =	vld [tilespmem:s25+$0x0];
	v57 =	vadd.f32 v9, v10  }
0x3f: {  	v56 =	vld [tilespmem:s24+$0x6000];
	v14 =	vadd.f32 v14, v0;
	[tilespmem:s16+$0x0] =	vst v55  }
0x40: {  	v58 =	vadd.f32 v7, v10;
	[tilespmem:s15+$0x0] =	vst v57  }
0x41: {  	v13 =	vadd.f32 v13, v0;
	[tilespmem:s8+$0x0] =	vst v14  }
0x42: {  	v1 =	vadd.f32 v1, v11;
	[tilespmem:s23+$0x0] =	vst v58  }
0x43: {  	v2 =	vadd.f32 v2, v11;
	v14 =	vld [tilespmem:s2+$0x6000];
	[tilespmem:s1+$0x0] =	vst v13  }
0x44: {  	v6 =	vadd.f32 v6, v15;
	[tilespmem:s20+$0x0] =	vst v1  }
0x45: {  	v59 =	vld [tilespmem:s25+$0x6000];
	v3 =	vadd.f32 v3, v11;
	[tilespmem:s28+$0x0] =	vst v2  }
0x46: {  	v60 =	vadd.f32 v8, v15;
	[tilespmem:s21+$0x0] =	vst v6  }
0x47: {  	v61 =	vadd.f32 v5, v15;
	[tilespmem:s17+$0x0] =	vst v3  }
0x48: {  	v62 =	vadd.f32 v12, v11;
	[tilespmem:s18+$0x0] =	vst v60  }
0x49: {  	v2 =	vadd.f32 v56, v10;
	[tilespmem:s19+$0x0] =	vst v61  }
0x4a: {  	v1 =	vadd.f32 v59, v15;
	[tilespmem:s22+$0x6000] =	vst v62  }
0x4b: {  	[tilespmem:s24+$0x6000] =	vst v2;
	v63 =	vadd.f32 v14, v0  }
0x4c: {  	[tilespmem:s25+$0x6000] =	vst v1  }
0x4d: {  	s4 =	simm.s32 $0x6000;
	s29 =	simm.s32 $0x40000;
	[tilespmem:s2+$0x6000] =	vst v63  }
0x4e: {  	s30 =	simm.s32 $0x7;
	s1 =	simm.s32 $0x2000;
	s0 =	rddreg [dreg:$0x7]  }
0x4f: {  	[hbm4b:s0+s1] =	stream.strided.scatter [tilespmem:s4], [sflag:$0x7], $0x8000, s29, s1, $0x38;
	[tilespmem:$0x1E000] =	vst v63  }
0x50: {  	_ =	swait.ge [sflag:s30], $0x8000  }
0x51: {  	s3 =	rddreg [dreg:$0x9]  }
0x52: {  	s31 =	rddreg [dreg:$0x8];
	s3 =	sadd.s32 $0x1, s3  }
0x53: {  	p0 =	sne.s32 s3, s31  }
.Ltmp1:
0x54: {  	_ = 	snop;
	(pc) =	sbr.rel @p0 .LBB2_1-.Ltmp1, $3  }
0x55: {  	_ =	sdelay $0x1  }
0x56: {  	[sflag:s30] =	ssyncset.done $0x0  }
0x57: {  	[sflag:s30] =	ssyncadd.s32 $0xFFFF8000  }
0x58: {  	_ =	sfence.sel $0x180000  }
0x59: {  	[bflag:$0x0] =	sbarrier.arrive $0xFFFF  }
0x5a: {  	_ =	strace $0x90000047  }
0x5b: {  	s0 =	stileid.u32;
	[bflag:$0x2] =	sbarrier.arrive $0xFFFF  }
0x5c: {  	p0 =	sne.s32 s0, $0x0;
	s0 =	rddreg [dreg:$0x3]  }
0x5d: {  	s0 =	sadd.s32 @!p0 $0x100000, s0  }
0x5e: {  	[sflag:s0] =	ssyncadd.tile.s32 @!p0 $0x1;
	_ =	shalt  }
.Lfunc_end2:
_tile_overlayer_lowered:
.L_overlay_start_2:
0x5f: {  	(tag) =	ssettag $0x2  }
0x60: {  	s0 =	rddreg [dreg:$0x0];
	s2 =	stileid.u32  }
0x61: {  	s1 =	rddreg [dreg:$0x1];
	p0 =	sne.s32 s2, $0x0  }
0x62: {  	s3 =	rddreg [dreg:$0x2];
	[bflag:$0x3] =	sbarrier.arrive $0xFFFF;
	s2 =	simm.s32 @!p0 $0x1C0A  }
0x63: {  	[timem:s3], [sflag:s2] =	dma.local @!p0 [hbm:s0], s1  }
0x64: {  	s0 =	simm.s32 @!p0 $0xA  }
0x65: {  	_ =	swait.ge @!p0 [sflag:s0], s1  }
0x66: {  	s1 =	ssub.s32 @!p0 $0x0, s1;
	[sflag:s0] =	ssyncset.done @!p0 $0x0  }
0x67: {  	[sflag:s0] =	ssyncadd.s32 @!p0 s1  }
0x68: {  	[bflag:$0x3] =	sbarrier.arrive $0xFFFF  }
0x69: {  	_ =	shalt  }

</sc_bundles>
